<compile_context>
chip_gen: v7x
topology: tpu7x:2x2x1
jax: 0.10.2.dev20260603
libtpu: 0.0.44.dev20260713+nightly
codegen_flags: <defaults>
</compile_context>

<pallas_src>
import functools

import jax
import jax.numpy as jnp
from jax import lax
from jax.experimental import pallas as pl
from jax.experimental.pallas import tpu as pltpu
from jax.experimental.pallas import tpu_sc as plsc

N = 10000
E = 320000
D = 128
D_OUT = 64

NC = 2
NS = 16
NW = NC * NS
EPW = E // NW
CHUNK = 80
NCHUNK = EPW // CHUNK
ROWS_PER_TILE = 624
ZCOPIES = ROWS_PER_TILE // CHUNK
ZREM = ROWS_PER_TILE % CHUNK
TAIL0 = NS * ROWS_PER_TILE
TAIL = N - TAIL0


def _sc_agg_body(h_hbm, src_hbm, dst_hbm, out_hbm,
                 src_c, dst_c, rows, agg_sh, sem):
    c = lax.axis_index("c")
    s = lax.axis_index("s")
    wid = s * NC + c
    base = wid * EPW

    def zero_body(i, carry):
        r = i // (D // 16)
        col = (i % (D // 16)) * 16
        rows[r, pl.ds(col, 16)] = jnp.zeros((16,), jnp.float32)
        return carry

    lax.fori_loop(0, CHUNK * (D // 16), zero_body, 0)

    row0 = pl.multiple_of(s * ROWS_PER_TILE, 8)
    for k in range(ZCOPIES):
        pltpu.sync_copy(rows, agg_sh.at[pl.ds(row0 + k * CHUNK, CHUNK)])
    if ZREM:
        pltpu.sync_copy(rows.at[pl.ds(0, ZREM)],
                        agg_sh.at[pl.ds(row0 + ZCOPIES * CHUNK, ZREM)])

    @pl.when(s == NS - 1)
    def _zero_tail():
        pltpu.sync_copy(rows.at[pl.ds(0, TAIL)], agg_sh.at[pl.ds(TAIL0, TAIL)])

    plsc.subcore_barrier()

    def body(j, carry):
        off = pl.multiple_of(base + j * CHUNK, 8)
        pltpu.sync_copy(src_hbm.at[pl.ds(off, CHUNK)], src_c)
        pltpu.sync_copy(dst_hbm.at[pl.ds(off, CHUNK)], dst_c)
        pltpu.sync_copy(h_hbm.at[src_c], rows)
        pltpu.sync_copy(rows, agg_sh.at[dst_c], add=True)
        return carry

    lax.fori_loop(0, NCHUNK, body, 0)

    plsc.subcore_barrier()

    out_row = pl.multiple_of(c * N + row0, 8)
    pltpu.sync_copy(agg_sh.at[pl.ds(row0, ROWS_PER_TILE)],
                    out_hbm.at[pl.ds(out_row, ROWS_PER_TILE)])

    @pl.when(s == NS - 1)
    def _dump_tail():
        pltpu.sync_copy(agg_sh.at[pl.ds(TAIL0, TAIL)],
                        out_hbm.at[pl.ds(pl.multiple_of(c * N + TAIL0, 8), TAIL)])


@jax.jit
def _sc_aggregate(h, src, dst):
    mesh = plsc.VectorSubcoreMesh(core_axis_name="c", subcore_axis_name="s")
    return pl.kernel(
        _sc_agg_body,
        out_type=jax.ShapeDtypeStruct((NC * N, D), jnp.float32),
        mesh=mesh,
        scratch_types=[
            pltpu.VMEM((CHUNK,), jnp.int32),
            pltpu.VMEM((CHUNK,), jnp.int32),
            pltpu.VMEM((CHUNK, D), jnp.float32),
            pltpu.VMEM_SHARED((N, D), jnp.float32),
            pltpu.SemaphoreType.DMA,
        ],
    )(h, src, dst)


BR = 1000


def _tc_layer_body(p0, p1, h, wr, b, wroot, o):
    agg = p0[...] + p1[...]
    t = lax.dot_general(agg, wr[...], (((1,), (1,)), ((), ())),
                        preferred_element_type=jnp.float32)
    t += lax.dot_general(h[...], wroot[...], (((1,), (1,)), ((), ())),
                         preferred_element_type=jnp.float32)
    o[...] = jnp.maximum(t + b[...], 0.0)


@jax.jit
def _tc_layer(p0, p1, h, wr, b, wroot):
    grid = (N // BR,)
    row_spec = pl.BlockSpec((BR, D), lambda i: (i, 0))
    w_spec = pl.BlockSpec((D, D), lambda i: (0, 0))
    b_spec = pl.BlockSpec((1, D), lambda i: (0, 0))
    return pl.pallas_call(
        _tc_layer_body,
        grid=grid,
        in_specs=[row_spec, row_spec, row_spec, w_spec, b_spec, w_spec],
        out_specs=row_spec,
        out_shape=jax.ShapeDtypeStruct((N, D), jnp.float32),
    )(p0, p1, h, wr, b.reshape(1, D), wroot)


def _tc_final_body(p0, p1, h, wr, b, wroot, wlin, blin, o_h, o_out):
    agg = p0[...] + p1[...]
    t = lax.dot_general(agg, wr[...], (((1,), (1,)), ((), ())),
                        preferred_element_type=jnp.float32)
    t += lax.dot_general(h[...], wroot[...], (((1,), (1,)), ((), ())),
                         preferred_element_type=jnp.float32)
    h3 = jnp.maximum(t + b[...], 0.0)
    o_h[...] = h3
    o_out[...] = lax.dot_general(h3, wlin[...], (((1,), (1,)), ((), ())),
                                 preferred_element_type=jnp.float32) + blin[...]


@jax.jit
def _tc_final(p0, p1, h, wr, b, wroot, wlin, blin):
    grid = (N // BR,)
    row_spec = pl.BlockSpec((BR, D), lambda i: (i, 0))
    w_spec = pl.BlockSpec((D, D), lambda i: (0, 0))
    b_spec = pl.BlockSpec((1, D), lambda i: (0, 0))
    wlin_spec = pl.BlockSpec((D_OUT, D), lambda i: (0, 0))
    blin_spec = pl.BlockSpec((1, D_OUT), lambda i: (0, 0))
    out_spec = pl.BlockSpec((BR, D_OUT), lambda i: (i, 0))
    return pl.pallas_call(
        _tc_final_body,
        grid=grid,
        in_specs=[row_spec, row_spec, row_spec, w_spec, b_spec, w_spec,
                  wlin_spec, blin_spec],
        out_specs=[row_spec, out_spec],
        out_shape=[jax.ShapeDtypeStruct((N, D), jnp.float32),
                   jax.ShapeDtypeStruct((N, D_OUT), jnp.float32)],
    )(p0, p1, h, wr, b.reshape(1, D), wroot, wlin, blin.reshape(1, D_OUT))


def kernel(x, edge_index, W_rel1, b_rel1, W_root1, W_rel2, b_rel2, W_root2,
           W_rel3, b_rel3, W_root3, W_lin, b_lin):
    src = edge_index[0]
    dst = edge_index[1]

    parts = _sc_aggregate(x, src, dst)
    h1 = _tc_layer(parts[:N], parts[N:], x, W_rel1, b_rel1, W_root1)
    parts = _sc_aggregate(h1, src, dst)
    h2 = _tc_layer(parts[:N], parts[N:], h1, W_rel2, b_rel2, W_root2)
    parts = _sc_aggregate(h2, src, dst)
    h3, out = _tc_final(parts[:N], parts[N:], h2, W_rel3, b_rel3, W_root3,
                        W_lin, b_lin)
    return (out, h3)

# --- scband reference (transcript-rebuilt; emitter-appended) ---
"""Pipeline reference for scband-gnn1-6528350290209 (READ-ONLY COPY).

The authoritative reference and input builder live on the scoring server;
editing this copy changes nothing except your own understanding.
"""

import jax, jax.numpy as jnp
import numpy as np

N = 10000
E = 320000
D_IN = 128
D_H = 128
D_OUT = 64


def setup_inputs(seed: int = 0) -> dict:
    key = jax.random.key(seed)
    ks = jax.random.split(key, 16)
    x = jax.random.normal(ks[0], (N, D_IN), dtype=jnp.float32)
    edge_index = jax.random.randint(ks[1], (2, E), 0, N, dtype=jnp.int32)
    s = 0.05
    params = {
        'W_rel1': jax.random.normal(ks[2], (D_H, D_IN), dtype=jnp.float32) * s,
        'b_rel1': jnp.zeros((D_H,), dtype=jnp.float32),
        'W_root1': jax.random.normal(ks[3], (D_H, D_IN), dtype=jnp.float32) * s,
        'W_rel2': jax.random.normal(ks[4], (D_H, D_H), dtype=jnp.float32) * s,
        'b_rel2': jnp.zeros((D_H,), dtype=jnp.float32),
        'W_root2': jax.random.normal(ks[5], (D_H, D_H), dtype=jnp.float32) * s,
        'W_rel3': jax.random.normal(ks[6], (D_H, D_H), dtype=jnp.float32) * s,
        'b_rel3': jnp.zeros((D_H,), dtype=jnp.float32),
        'W_root3': jax.random.normal(ks[7], (D_H, D_H), dtype=jnp.float32) * s,
        'W_lin': jax.random.normal(ks[8], (D_OUT, D_H), dtype=jnp.float32) * s,
        'b_lin': jnp.zeros((D_OUT,), dtype=jnp.float32),
    }
    return {'x': x, 'edge_index': edge_index, **params}


def reference(x, edge_index, W_rel1, b_rel1, W_root1, W_rel2, b_rel2, W_root2, W_rel3, b_rel3, W_root3, W_lin, b_lin):
    # PyG GraphConv: out = lin_rel(sum_{j->i} x_j) + lin_root(x_i)
    src = edge_index[0]
    dst = edge_index[1]

    def graph_conv(h, Wr, br, Wroot):
        msgs = jnp.take(h, src, axis=0)                      # gather x[src]
        agg = jax.ops.segment_sum(msgs, dst, num_segments=N)  # scatter-add to dst
        return agg @ Wr.T + br + h @ Wroot.T

    h = jax.nn.relu(graph_conv(x, W_rel1, b_rel1, W_root1))
    h = jax.nn.relu(graph_conv(h, W_rel2, b_rel2, W_root2))
    h = jax.nn.relu(graph_conv(h, W_rel3, b_rel3, W_root3))
    node_embed = h
    # dropout in eval mode -> identity
    out = h @ W_lin.T + b_lin
    return (out, node_embed)

if __name__ == "__main__":
    import jax
    _d = setup_inputs()
    print(jax.jit(kernel)(*tuple(_d.values())))

</pallas_src>

<mosaic_0001>
#map = affine_map<(d0, d1) -> (0, 0)>
#map1 = affine_map<(d0, d1) -> (0)>
module attributes {stable_mosaic.version = 14 : i64} {
  func.func @_sc_agg_body(%arg0: i32, %arg1: i32, %arg2: memref<10000x128xf32, #tpu.memory_space<hbm>>, %arg3: memref<320000xi32, #tpu.memory_space<hbm>>, %arg4: memref<320000xi32, #tpu.memory_space<hbm>>, %arg5: memref<20000x128xf32, #tpu.memory_space<hbm>>, %arg6: memref<80xi32, #tpu.memory_space<vmem>>, %arg7: memref<80xi32, #tpu.memory_space<vmem>>, %arg8: memref<80x128xf32, #tpu.memory_space<vmem>>, %arg9: memref<10000x128xf32, #tpu.memory_space<vmem_shared>>, %arg10: memref<!tpu.dma_semaphore, #tpu.memory_space<semaphore_mem>>) attributes {dimension_semantics = [#tpu.dimension_semantics<core_parallel>, #tpu.dimension_semantics<subcore_parallel>], iteration_bounds = array<i64: 2, 16>, scalar_prefetch = 0 : i64, scratch_operands = 5 : i64, tpu.core_type = #tpu.core_type<sc_vector_subcore>, window_params = [{transform_indices = #map}, {transform_indices = #map1}, {transform_indices = #map1}, {transform_indices = #map}]} {
    %mul3A = arith.constant 2 : i32
    %mul3A_0 = arith.muli %arg1, %mul3A : i32
    %add3A = arith.addi %mul3A_0, %arg0 : i32
    %mul3A_1 = arith.constant 10000 : i32
    %mul3A_2 = arith.muli %add3A, %mul3A_1 : i32
    %scan3A = arith.constant 0 : i32
    %scan3A_3 = arith.constant 0 : i32
    %scan3A_4 = arith.constant 640 : i32
    %scan3A_5 = arith.addi %scan3A_3, %scan3A_4 : i32
    %scan3A_6 = arith.constant 1 : i32
    scf.for %scan3A_44 = %scan3A_3 to %scan3A_5 step %scan3A_6  : i32 {
      %jit3A = arith.constant 8 : i32
      %div3A = arith.divsi %scan3A_44, %jit3A : i32
      %sign3A = arith.constant 0 : i32
      %sign3A_45 = arith.cmpi sgt, %scan3A_44, %sign3A : i32
      %sign3A_46 = arith.extui %sign3A_45 : i1 to i32
      %sign3A_47 = arith.constant 0 : i32
      %sign3A_48 = arith.cmpi slt, %scan3A_44, %sign3A_47 : i32
      %sign3A_49 = arith.extui %sign3A_48 : i1 to i32
      %sign3A_50 = arith.subi %sign3A_46, %sign3A_49 : i32
      %sign3A_51 = arith.constant 0 : i32
      %sign3A_52 = arith.cmpi sgt, %jit3A, %sign3A_51 : i32
      %sign3A_53 = arith.extui %sign3A_52 : i1 to i32
      %sign3A_54 = arith.constant 0 : i32
      %sign3A_55 = arith.cmpi slt, %jit3A, %sign3A_54 : i32
      %sign3A_56 = arith.extui %sign3A_55 : i1 to i32
      %sign3A_57 = arith.subi %sign3A_53, %sign3A_56 : i32
      %ne3A = arith.cmpi ne, %sign3A_50, %sign3A_57 : i32
      %rem3A = arith.remsi %scan3A_44, %jit3A : i32
      %ne3A_58 = arith.constant 0 : i32
      %ne3A_59 = arith.cmpi ne, %rem3A, %ne3A_58 : i32
      %and3A = arith.andi %ne3A, %ne3A_59 : i1
      %sub3A = arith.constant 1 : i32
      %sub3A_60 = arith.subi %div3A, %sub3A : i32
      %select_n3A = arith.select %and3A, %sub3A_60, %div3A : i32
      %jit3A_61 = arith.constant 8 : i32
      %eq3A_62 = arith.constant 0 : i32
      %eq3A_63 = arith.cmpi eq, %jit3A_61, %eq3A_62 : i32
      %jit3A_64 = arith.constant 1 : i32
      %select_n3A_65 = arith.select %eq3A_63, %jit3A_64, %jit3A_61 : i32
      %rem3A_66 = arith.remsi %scan3A_44, %select_n3A_65 : i32
      %ne3A_67 = arith.constant 0 : i32
      %ne3A_68 = arith.cmpi ne, %rem3A_66, %ne3A_67 : i32
      %lt3A = arith.constant 0 : i32
      %lt3A_69 = arith.cmpi slt, %rem3A_66, %lt3A : i32
      %lt3A_70 = arith.constant 0 : i32
      %lt3A_71 = arith.cmpi slt, %select_n3A_65, %lt3A_70 : i32
      %ne3A_72 = arith.xori %lt3A_69, %lt3A_71 : i1
      %and3A_73 = arith.andi %ne3A_72, %ne3A_68 : i1
      %add3A_74 = arith.addi %rem3A_66, %select_n3A_65 : i32
      %select_n3A_75 = arith.select %and3A_73, %add3A_74, %rem3A_66 : i32
      %mul3A_76 = arith.constant 16 : i32
      %mul3A_77 = arith.muli %select_n3A_75, %mul3A_76 : i32
      %broadcast_in_dim3A = arith.constant 0.000000e+00 : f32
      %broadcast_in_dim3A_78 = vector.broadcast %broadcast_in_dim3A : f32 to vector<16xf32>
      %swap3A = arith.index_cast %select_n3A : i32 to index
      %swap3A_79 = arith.index_cast %mul3A_77 : i32 to index
      %swap3A_80 = tpu.vector_load %arg8[%swap3A, %swap3A_79] {strides = array<i32>} : memref<80x128xf32, #tpu.memory_space<vmem>>, vector<1x16xf32>,
      %swap3A_81 = vector.shape_cast %swap3A_80 : vector<1x16xf32> to vector<16xf32>
      %swap3A_82 = vector.shape_cast %broadcast_in_dim3A_78 : vector<16xf32> to vector<1x16xf32>
      tpu.vector_store %arg8[%swap3A, %swap3A_79], %swap3A_82 {strides = array<i32>} : memref<80x128xf32, #tpu.memory_space<vmem>>, vector<1x16xf32>,
    }
    %scan3A_7 = arith.constant 640 : i32
    %mul3A_8 = arith.constant 624 : i32
    %mul3A_9 = arith.muli %arg1, %mul3A_8 : i32
    %multiple_of3A = tpu.assume_multiple %mul3A_9, 8 : i32
    %add3A_10 = arith.constant 0 : i32
    %add3A_11 = arith.addi %multiple_of3A, %add3A_10 : i32
    "tpu.region"() ({
      %run_scoped3A = tpu.sem_alloc : memref<!tpu.dma_semaphore, #tpu.memory_space<semaphore_mem>>
      %dma_start3A = arith.constant 0 : i32
      %dma_start3A_44 = tpu.memref_slice %arg9[%add3A_11, %dma_start3A] : memref<10000x128xf32, #tpu.memory_space<vmem_shared>> -> memref<80x128xf32, #tpu.memory_space<vmem_shared>>
      %dma_start3A_45 = arith.constant 0 : i32
      %dma_start3A_46 = tpu.memref_slice %arg9[%add3A_11, %dma_start3A_45] : memref<10000x128xf32, #tpu.memory_space<vmem_shared>> -> memref<80x128xf32, #tpu.memory_space<vmem_shared>>
      tpu.enqueue_dma source(%arg8 : memref<80x128xf32, #tpu.memory_space<vmem>>) target(%dma_start3A_46 : memref<80x128xf32, #tpu.memory_space<vmem_shared>>) target_semaphore(%run_scoped3A : memref<!tpu.dma_semaphore, #tpu.memory_space<semaphore_mem>>)
      %dma_wait3A = arith.constant 0 : i32
      %dma_wait3A_47 = tpu.memref_slice %arg9[%add3A_11, %dma_wait3A] : memref<10000x128xf32, #tpu.memory_space<vmem_shared>> -> memref<80x128xf32, #tpu.memory_space<vmem_shared>>
      %dma_wait3A_48 = arith.constant 0 : i32
      %dma_wait3A_49 = tpu.memref_slice %arg9[%add3A_11, %dma_wait3A_48] : memref<10000x128xf32, #tpu.memory_space<vmem_shared>> -> memref<80x128xf32, #tpu.memory_space<vmem_shared>>
      tpu.wait_dma2 semaphore(%run_scoped3A : memref<!tpu.dma_semaphore, #tpu.memory_space<semaphore_mem>>) src(%arg8 : memref<80x128xf32, #tpu.memory_space<vmem>>) dst(%dma_wait3A_49 : memref<80x128xf32, #tpu.memory_space<vmem_shared>>)
      tpu.yield
    }) : () -> ()
    %add3A_12 = arith.constant 80 : i32
    %add3A_13 = arith.addi %multiple_of3A, %add3A_12 : i32
    "tpu.region"() ({
      %run_scoped3A = tpu.sem_alloc : memref<!tpu.dma_semaphore, #tpu.memory_space<semaphore_mem>>
      %dma_start3A = arith.constant 0 : i32
      %dma_start3A_44 = tpu.memref_slice %arg9[%add3A_13, %dma_start3A] : memref<10000x128xf32, #tpu.memory_space<vmem_shared>> -> memref<80x128xf32, #tpu.memory_space<vmem_shared>>
      %dma_start3A_45 = arith.constant 0 : i32
      %dma_start3A_46 = tpu.memref_slice %arg9[%add3A_13, %dma_start3A_45] : memref<10000x128xf32, #tpu.memory_space<vmem_shared>> -> memref<80x128xf32, #tpu.memory_space<vmem_shared>>
      tpu.enqueue_dma source(%arg8 : memref<80x128xf32, #tpu.memory_space<vmem>>) target(%dma_start3A_46 : memref<80x128xf32, #tpu.memory_space<vmem_shared>>) target_semaphore(%run_scoped3A : memref<!tpu.dma_semaphore, #tpu.memory_space<semaphore_mem>>)
      %dma_wait3A = arith.constant 0 : i32
      %dma_wait3A_47 = tpu.memref_slice %arg9[%add3A_13, %dma_wait3A] : memref<10000x128xf32, #tpu.memory_space<vmem_shared>> -> memref<80x128xf32, #tpu.memory_space<vmem_shared>>
      %dma_wait3A_48 = arith.constant 0 : i32
      %dma_wait3A_49 = tpu.memref_slice %arg9[%add3A_13, %dma_wait3A_48] : memref<10000x128xf32, #tpu.memory_space<vmem_shared>> -> memref<80x128xf32, #tpu.memory_space<vmem_shared>>
      tpu.wait_dma2 semaphore(%run_scoped3A : memref<!tpu.dma_semaphore, #tpu.memory_space<semaphore_mem>>) src(%arg8 : memref<80x128xf32, #tpu.memory_space<vmem>>) dst(%dma_wait3A_49 : memref<80x128xf32, #tpu.memory_space<vmem_shared>>)
      tpu.yield
    }) : () -> ()
    %add3A_14 = arith.constant 160 : i32
    %add3A_15 = arith.addi %multiple_of3A, %add3A_14 : i32
    "tpu.region"() ({
      %run_scoped3A = tpu.sem_alloc : memref<!tpu.dma_semaphore, #tpu.memory_space<semaphore_mem>>
      %dma_start3A = arith.constant 0 : i32
      %dma_start3A_44 = tpu.memref_slice %arg9[%add3A_15, %dma_start3A] : memref<10000x128xf32, #tpu.memory_space<vmem_shared>> -> memref<80x128xf32, #tpu.memory_space<vmem_shared>>
      %dma_start3A_45 = arith.constant 0 : i32
      %dma_start3A_46 = tpu.memref_slice %arg9[%add3A_15, %dma_start3A_45] : memref<10000x128xf32, #tpu.memory_space<vmem_shared>> -> memref<80x128xf32, #tpu.memory_space<vmem_shared>>
      tpu.enqueue_dma source(%arg8 : memref<80x128xf32, #tpu.memory_space<vmem>>) target(%dma_start3A_46 : memref<80x128xf32, #tpu.memory_space<vmem_shared>>) target_semaphore(%run_scoped3A : memref<!tpu.dma_semaphore, #tpu.memory_space<semaphore_mem>>)
      %dma_wait3A = arith.constant 0 : i32
      %dma_wait3A_47 = tpu.memref_slice %arg9[%add3A_15, %dma_wait3A] : memref<10000x128xf32, #tpu.memory_space<vmem_shared>> -> memref<80x128xf32, #tpu.memory_space<vmem_shared>>
      %dma_wait3A_48 = arith.constant 0 : i32
      %dma_wait3A_49 = tpu.memref_slice %arg9[%add3A_15, %dma_wait3A_48] : memref<10000x128xf32, #tpu.memory_space<vmem_shared>> -> memref<80x128xf32, #tpu.memory_space<vmem_shared>>
      tpu.wait_dma2 semaphore(%run_scoped3A : memref<!tpu.dma_semaphore, #tpu.memory_space<semaphore_mem>>) src(%arg8 : memref<80x128xf32, #tpu.memory_space<vmem>>) dst(%dma_wait3A_49 : memref<80x128xf32, #tpu.memory_space<vmem_shared>>)
      tpu.yield
    }) : () -> ()
    %add3A_16 = arith.constant 240 : i32
    %add3A_17 = arith.addi %multiple_of3A, %add3A_16 : i32
    "tpu.region"() ({
      %run_scoped3A = tpu.sem_alloc : memref<!tpu.dma_semaphore, #tpu.memory_space<semaphore_mem>>
      %dma_start3A = arith.constant 0 : i32
      %dma_start3A_44 = tpu.memref_slice %arg9[%add3A_17, %dma_start3A] : memref<10000x128xf32, #tpu.memory_space<vmem_shared>> -> memref<80x128xf32, #tpu.memory_space<vmem_shared>>
      %dma_start3A_45 = arith.constant 0 : i32
      %dma_start3A_46 = tpu.memref_slice %arg9[%add3A_17, %dma_start3A_45] : memref<10000x128xf32, #tpu.memory_space<vmem_shared>> -> memref<80x128xf32, #tpu.memory_space<vmem_shared>>
      tpu.enqueue_dma source(%arg8 : memref<80x128xf32, #tpu.memory_space<vmem>>) target(%dma_start3A_46 : memref<80x128xf32, #tpu.memory_space<vmem_shared>>) target_semaphore(%run_scoped3A : memref<!tpu.dma_semaphore, #tpu.memory_space<semaphore_mem>>)
      %dma_wait3A = arith.constant 0 : i32
      %dma_wait3A_47 = tpu.memref_slice %arg9[%add3A_17, %dma_wait3A] : memref<10000x128xf32, #tpu.memory_space<vmem_shared>> -> memref<80x128xf32, #tpu.memory_space<vmem_shared>>
      %dma_wait3A_48 = arith.constant 0 : i32
      %dma_wait3A_49 = tpu.memref_slice %arg9[%add3A_17, %dma_wait3A_48] : memref<10000x128xf32, #tpu.memory_space<vmem_shared>> -> memref<80x128xf32, #tpu.memory_space<vmem_shared>>
      tpu.wait_dma2 semaphore(%run_scoped3A : memref<!tpu.dma_semaphore, #tpu.memory_space<semaphore_mem>>) src(%arg8 : memref<80x128xf32, #tpu.memory_space<vmem>>) dst(%dma_wait3A_49 : memref<80x128xf32, #tpu.memory_space<vmem_shared>>)
      tpu.yield
    }) : () -> ()
    %add3A_18 = arith.constant 320 : i32
    %add3A_19 = arith.addi %multiple_of3A, %add3A_18 : i32
    "tpu.region"() ({
      %run_scoped3A = tpu.sem_alloc : memref<!tpu.dma_semaphore, #tpu.memory_space<semaphore_mem>>
      %dma_start3A = arith.constant 0 : i32
      %dma_start3A_44 = tpu.memref_slice %arg9[%add3A_19, %dma_start3A] : memref<10000x128xf32, #tpu.memory_space<vmem_shared>> -> memref<80x128xf32, #tpu.memory_space<vmem_shared>>
      %dma_start3A_45 = arith.constant 0 : i32
      %dma_start3A_46 = tpu.memref_slice %arg9[%add3A_19, %dma_start3A_45] : memref<10000x128xf32, #tpu.memory_space<vmem_shared>> -> memref<80x128xf32, #tpu.memory_space<vmem_shared>>
      tpu.enqueue_dma source(%arg8 : memref<80x128xf32, #tpu.memory_space<vmem>>) target(%dma_start3A_46 : memref<80x128xf32, #tpu.memory_space<vmem_shared>>) target_semaphore(%run_scoped3A : memref<!tpu.dma_semaphore, #tpu.memory_space<semaphore_mem>>)
      %dma_wait3A = arith.constant 0 : i32
      %dma_wait3A_47 = tpu.memref_slice %arg9[%add3A_19, %dma_wait3A] : memref<10000x128xf32, #tpu.memory_space<vmem_shared>> -> memref<80x128xf32, #tpu.memory_space<vmem_shared>>
      %dma_wait3A_48 = arith.constant 0 : i32
      %dma_wait3A_49 = tpu.memref_slice %arg9[%add3A_19, %dma_wait3A_48] : memref<10000x128xf32, #tpu.memory_space<vmem_shared>> -> memref<80x128xf32, #tpu.memory_space<vmem_shared>>
      tpu.wait_dma2 semaphore(%run_scoped3A : memref<!tpu.dma_semaphore, #tpu.memory_space<semaphore_mem>>) src(%arg8 : memref<80x128xf32, #tpu.memory_space<vmem>>) dst(%dma_wait3A_49 : memref<80x128xf32, #tpu.memory_space<vmem_shared>>)
      tpu.yield
    }) : () -> ()
    %add3A_20 = arith.constant 400 : i32
    %add3A_21 = arith.addi %multiple_of3A, %add3A_20 : i32
    "tpu.region"() ({
      %run_scoped3A = tpu.sem_alloc : memref<!tpu.dma_semaphore, #tpu.memory_space<semaphore_mem>>
      %dma_start3A = arith.constant 0 : i32
      %dma_start3A_44 = tpu.memref_slice %arg9[%add3A_21, %dma_start3A] : memref<10000x128xf32, #tpu.memory_space<vmem_shared>> -> memref<80x128xf32, #tpu.memory_space<vmem_shared>>
      %dma_start3A_45 = arith.constant 0 : i32
      %dma_start3A_46 = tpu.memref_slice %arg9[%add3A_21, %dma_start3A_45] : memref<10000x128xf32, #tpu.memory_space<vmem_shared>> -> memref<80x128xf32, #tpu.memory_space<vmem_shared>>
      tpu.enqueue_dma source(%arg8 : memref<80x128xf32, #tpu.memory_space<vmem>>) target(%dma_start3A_46 : memref<80x128xf32, #tpu.memory_space<vmem_shared>>) target_semaphore(%run_scoped3A : memref<!tpu.dma_semaphore, #tpu.memory_space<semaphore_mem>>)
      %dma_wait3A = arith.constant 0 : i32
      %dma_wait3A_47 = tpu.memref_slice %arg9[%add3A_21, %dma_wait3A] : memref<10000x128xf32, #tpu.memory_space<vmem_shared>> -> memref<80x128xf32, #tpu.memory_space<vmem_shared>>
      %dma_wait3A_48 = arith.constant 0 : i32
      %dma_wait3A_49 = tpu.memref_slice %arg9[%add3A_21, %dma_wait3A_48] : memref<10000x128xf32, #tpu.memory_space<vmem_shared>> -> memref<80x128xf32, #tpu.memory_space<vmem_shared>>
      tpu.wait_dma2 semaphore(%run_scoped3A : memref<!tpu.dma_semaphore, #tpu.memory_space<semaphore_mem>>) src(%arg8 : memref<80x128xf32, #tpu.memory_space<vmem>>) dst(%dma_wait3A_49 : memref<80x128xf32, #tpu.memory_space<vmem_shared>>)
      tpu.yield
    }) : () -> ()
    %add3A_22 = arith.constant 480 : i32
    %add3A_23 = arith.addi %multiple_of3A, %add3A_22 : i32
    "tpu.region"() ({
      %run_scoped3A = tpu.sem_alloc : memref<!tpu.dma_semaphore, #tpu.memory_space<semaphore_mem>>
      %dma_start3A = arith.constant 0 : i32
      %dma_start3A_44 = tpu.memref_slice %arg9[%add3A_23, %dma_start3A] : memref<10000x128xf32, #tpu.memory_space<vmem_shared>> -> memref<80x128xf32, #tpu.memory_space<vmem_shared>>
      %dma_start3A_45 = arith.constant 0 : i32
      %dma_start3A_46 = tpu.memref_slice %arg9[%add3A_23, %dma_start3A_45] : memref<10000x128xf32, #tpu.memory_space<vmem_shared>> -> memref<80x128xf32, #tpu.memory_space<vmem_shared>>
      tpu.enqueue_dma source(%arg8 : memref<80x128xf32, #tpu.memory_space<vmem>>) target(%dma_start3A_46 : memref<80x128xf32, #tpu.memory_space<vmem_shared>>) target_semaphore(%run_scoped3A : memref<!tpu.dma_semaphore, #tpu.memory_space<semaphore_mem>>)
      %dma_wait3A = arith.constant 0 : i32
      %dma_wait3A_47 = tpu.memref_slice %arg9[%add3A_23, %dma_wait3A] : memref<10000x128xf32, #tpu.memory_space<vmem_shared>> -> memref<80x128xf32, #tpu.memory_space<vmem_shared>>
      %dma_wait3A_48 = arith.constant 0 : i32
      %dma_wait3A_49 = tpu.memref_slice %arg9[%add3A_23, %dma_wait3A_48] : memref<10000x128xf32, #tpu.memory_space<vmem_shared>> -> memref<80x128xf32, #tpu.memory_space<vmem_shared>>
      tpu.wait_dma2 semaphore(%run_scoped3A : memref<!tpu.dma_semaphore, #tpu.memory_space<semaphore_mem>>) src(%arg8 : memref<80x128xf32, #tpu.memory_space<vmem>>) dst(%dma_wait3A_49 : memref<80x128xf32, #tpu.memory_space<vmem_shared>>)
      tpu.yield
    }) : () -> ()
    %add3A_24 = arith.constant 560 : i32
    %add3A_25 = arith.addi %multiple_of3A, %add3A_24 : i32
    "tpu.region"() ({
      %run_scoped3A = tpu.sem_alloc : memref<!tpu.dma_semaphore, #tpu.memory_space<semaphore_mem>>
      %dma_start3A = arith.constant 0 : i32
      %dma_start3A_44 = arith.constant 0 : i32
      %dma_start3A_45 = tpu.memref_slice %arg8[%dma_start3A, %dma_start3A_44] : memref<80x128xf32, #tpu.memory_space<vmem>> -> memref<64x128xf32, #tpu.memory_space<vmem>>
      %dma_start3A_46 = arith.constant 0 : i32
      %dma_start3A_47 = tpu.memref_slice %arg9[%add3A_25, %dma_start3A_46] : memref<10000x128xf32, #tpu.memory_space<vmem_shared>> -> memref<64x128xf32, #tpu.memory_space<vmem_shared>>
      %dma_start3A_48 = arith.constant 0 : i32
      %dma_start3A_49 = tpu.memref_slice %arg9[%add3A_25, %dma_start3A_48] : memref<10000x128xf32, #tpu.memory_space<vmem_shared>> -> memref<64x128xf32, #tpu.memory_space<vmem_shared>>
      %dma_start3A_50 = arith.constant 0 : i32
      %dma_start3A_51 = arith.constant 0 : i32
      %dma_start3A_52 = tpu.memref_slice %arg8[%dma_start3A_50, %dma_start3A_51] : memref<80x128xf32, #tpu.memory_space<vmem>> -> memref<64x128xf32, #tpu.memory_space<vmem>>
      tpu.enqueue_dma source(%dma_start3A_52 : memref<64x128xf32, #tpu.memory_space<vmem>>) target(%dma_start3A_49 : memref<64x128xf32, #tpu.memory_space<vmem_shared>>) target_semaphore(%run_scoped3A : memref<!tpu.dma_semaphore, #tpu.memory_space<semaphore_mem>>)
      %dma_wait3A = arith.constant 0 : i32
      %dma_wait3A_53 = arith.constant 0 : i32
      %dma_wait3A_54 = tpu.memref_slice %arg8[%dma_wait3A, %dma_wait3A_53] : memref<80x128xf32, #tpu.memory_space<vmem>> -> memref<64x128xf32, #tpu.memory_space<vmem>>
      %dma_wait3A_55 = arith.constant 0 : i32
      %dma_wait3A_56 = tpu.memref_slice %arg9[%add3A_25, %dma_wait3A_55] : memref<10000x128xf32, #tpu.memory_space<vmem_shared>> -> memref<64x128xf32, #tpu.memory_space<vmem_shared>>
      %dma_wait3A_57 = arith.constant 0 : i32
      %dma_wait3A_58 = tpu.memref_slice %arg9[%add3A_25, %dma_wait3A_57] : memref<10000x128xf32, #tpu.memory_space<vmem_shared>> -> memref<64x128xf32, #tpu.memory_space<vmem_shared>>
      %dma_wait3A_59 = arith.constant 0 : i32
      %dma_wait3A_60 = arith.constant 0 : i32
      %dma_wait3A_61 = tpu.memref_slice %arg8[%dma_wait3A_59, %dma_wait3A_60] : memref<80x128xf32, #tpu.memory_space<vmem>> -> memref<64x128xf32, #tpu.memory_space<vmem>>
      tpu.wait_dma2 semaphore(%run_scoped3A : memref<!tpu.dma_semaphore, #tpu.memory_space<semaphore_mem>>) src(%dma_wait3A_61 : memref<64x128xf32, #tpu.memory_space<vmem>>) dst(%dma_wait3A_58 : memref<64x128xf32, #tpu.memory_space<vmem_shared>>)
      tpu.yield
    }) : () -> ()
    %eq3A = arith.constant 15 : i32
    %eq3A_26 = arith.cmpi eq, %arg1, %eq3A : i32
    %convert_element_type3A = arith.extui %eq3A_26 : i1 to i32
    %cond3A = arith.constant 0 : i32
    %cond3A_27 = arith.cmpi ne, %convert_element_type3A, %cond3A : i32
    scf.if %cond3A_27 {
      "tpu.region"() ({
        %run_scoped3A = tpu.sem_alloc : memref<!tpu.dma_semaphore, #tpu.memory_space<semaphore_mem>>
        %dma_start3A = arith.constant 0 : i32
        %dma_start3A_44 = arith.constant 0 : i32
        %dma_start3A_45 = tpu.memref_slice %arg8[%dma_start3A, %dma_start3A_44] : memref<80x128xf32, #tpu.memory_space<vmem>> -> memref<16x128xf32, #tpu.memory_space<vmem>>
        %dma_start3A_46 = arith.constant 9984 : i32
        %dma_start3A_47 = arith.constant 0 : i32
        %dma_start3A_48 = tpu.memref_slice %arg9[%dma_start3A_46, %dma_start3A_47] : memref<10000x128xf32, #tpu.memory_space<vmem_shared>> -> memref<16x128xf32, #tpu.memory_space<vmem_shared>>
        %dma_start3A_49 = arith.constant 9984 : i32
        %dma_start3A_50 = arith.constant 0 : i32
        %dma_start3A_51 = tpu.memref_slice %arg9[%dma_start3A_49, %dma_start3A_50] : memref<10000x128xf32, #tpu.memory_space<vmem_shared>> -> memref<16x128xf32, #tpu.memory_space<vmem_shared>>
        %dma_start3A_52 = arith.constant 0 : i32
        %dma_start3A_53 = arith.constant 0 : i32
        %dma_start3A_54 = tpu.memref_slice %arg8[%dma_start3A_52, %dma_start3A_53] : memref<80x128xf32, #tpu.memory_space<vmem>> -> memref<16x128xf32, #tpu.memory_space<vmem>>
        tpu.enqueue_dma source(%dma_start3A_54 : memref<16x128xf32, #tpu.memory_space<vmem>>) target(%dma_start3A_51 : memref<16x128xf32, #tpu.memory_space<vmem_shared>>) target_semaphore(%run_scoped3A : memref<!tpu.dma_semaphore, #tpu.memory_space<semaphore_mem>>)
        %dma_wait3A = arith.constant 0 : i32
        %dma_wait3A_55 = arith.constant 0 : i32
        %dma_wait3A_56 = tpu.memref_slice %arg8[%dma_wait3A, %dma_wait3A_55] : memref<80x128xf32, #tpu.memory_space<vmem>> -> memref<16x128xf32, #tpu.memory_space<vmem>>
        %dma_wait3A_57 = arith.constant 9984 : i32
        %dma_wait3A_58 = arith.constant 0 : i32
        %dma_wait3A_59 = tpu.memref_slice %arg9[%dma_wait3A_57, %dma_wait3A_58] : memref<10000x128xf32, #tpu.memory_space<vmem_shared>> -> memref<16x128xf32, #tpu.memory_space<vmem_shared>>
        %dma_wait3A_60 = arith.constant 9984 : i32
        %dma_wait3A_61 = arith.constant 0 : i32
        %dma_wait3A_62 = tpu.memref_slice %arg9[%dma_wait3A_60, %dma_wait3A_61] : memref<10000x128xf32, #tpu.memory_space<vmem_shared>> -> memref<16x128xf32, #tpu.memory_space<vmem_shared>>
        %dma_wait3A_63 = arith.constant 0 : i32
        %dma_wait3A_64 = arith.constant 0 : i32
        %dma_wait3A_65 = tpu.memref_slice %arg8[%dma_wait3A_63, %dma_wait3A_64] : memref<80x128xf32, #tpu.memory_space<vmem>> -> memref<16x128xf32, #tpu.memory_space<vmem>>
        tpu.wait_dma2 semaphore(%run_scoped3A : memref<!tpu.dma_semaphore, #tpu.memory_space<semaphore_mem>>) src(%dma_wait3A_65 : memref<16x128xf32, #tpu.memory_space<vmem>>) dst(%dma_wait3A_62 : memref<16x128xf32, #tpu.memory_space<vmem_shared>>)
        tpu.yield
      }) : () -> ()
    } else {
    }
    %barrier3A = arith.constant 0 : index
    tpu.barrier barrier_id(%barrier3A)
    %scan3A_28 = arith.constant 0 : i32
    %scan3A_29 = arith.constant 0 : i32
    %scan3A_30 = arith.constant 125 : i32
    %scan3A_31 = arith.addi %scan3A_29, %scan3A_30 : i32
    %scan3A_32 = arith.constant 1 : i32
    scf.for %scan3A_44 = %scan3A_29 to %scan3A_31 step %scan3A_32  : i32 {
      %mul3A_45 = arith.constant 80 : i32
      %mul3A_46 = arith.muli %scan3A_44, %mul3A_45 : i32
      %add3A_47 = arith.addi %mul3A_2, %mul3A_46 : i32
      %multiple_of3A_48 = tpu.assume_multiple %add3A_47, 8 : i32
      "tpu.region"() ({
        %run_scoped3A = tpu.sem_alloc : memref<!tpu.dma_semaphore, #tpu.memory_space<semaphore_mem>>
        %dma_start3A = tpu.memref_slice %arg3[%multiple_of3A_48] : memref<320000xi32, #tpu.memory_space<hbm>> -> memref<80xi32, #tpu.memory_space<hbm>>
        %dma_start3A_49 = tpu.memref_slice %arg3[%multiple_of3A_48] : memref<320000xi32, #tpu.memory_space<hbm>> -> memref<80xi32, #tpu.memory_space<hbm>>
        tpu.enqueue_dma source(%dma_start3A_49 : memref<80xi32, #tpu.memory_space<hbm>>) target(%arg6 : memref<80xi32, #tpu.memory_space<vmem>>) target_semaphore(%run_scoped3A : memref<!tpu.dma_semaphore, #tpu.memory_space<semaphore_mem>>)
        %dma_wait3A = tpu.memref_slice %arg3[%multiple_of3A_48] : memref<320000xi32, #tpu.memory_space<hbm>> -> memref<80xi32, #tpu.memory_space<hbm>>
        %dma_wait3A_50 = tpu.memref_slice %arg3[%multiple_of3A_48] : memref<320000xi32, #tpu.memory_space<hbm>> -> memref<80xi32, #tpu.memory_space<hbm>>
        tpu.wait_dma2 semaphore(%run_scoped3A : memref<!tpu.dma_semaphore, #tpu.memory_space<semaphore_mem>>) src(%dma_wait3A_50 : memref<80xi32, #tpu.memory_space<hbm>>) dst(%arg6 : memref<80xi32, #tpu.memory_space<vmem>>)
        tpu.yield
      }) : () -> ()
      "tpu.region"() ({
        %run_scoped3A = tpu.sem_alloc : memref<!tpu.dma_semaphore, #tpu.memory_space<semaphore_mem>>
        %dma_start3A = tpu.memref_slice %arg4[%multiple_of3A_48] : memref<320000xi32, #tpu.memory_space<hbm>> -> memref<80xi32, #tpu.memory_space<hbm>>
        %dma_start3A_49 = tpu.memref_slice %arg4[%multiple_of3A_48] : memref<320000xi32, #tpu.memory_space<hbm>> -> memref<80xi32, #tpu.memory_space<hbm>>
        tpu.enqueue_dma source(%dma_start3A_49 : memref<80xi32, #tpu.memory_space<hbm>>) target(%arg7 : memref<80xi32, #tpu.memory_space<vmem>>) target_semaphore(%run_scoped3A : memref<!tpu.dma_semaphore, #tpu.memory_space<semaphore_mem>>)
        %dma_wait3A = tpu.memref_slice %arg4[%multiple_of3A_48] : memref<320000xi32, #tpu.memory_space<hbm>> -> memref<80xi32, #tpu.memory_space<hbm>>
        %dma_wait3A_50 = tpu.memref_slice %arg4[%multiple_of3A_48] : memref<320000xi32, #tpu.memory_space<hbm>> -> memref<80xi32, #tpu.memory_space<hbm>>
        tpu.wait_dma2 semaphore(%run_scoped3A : memref<!tpu.dma_semaphore, #tpu.memory_space<semaphore_mem>>) src(%dma_wait3A_50 : memref<80xi32, #tpu.memory_space<hbm>>) dst(%arg7 : memref<80xi32, #tpu.memory_space<vmem>>)
        tpu.yield
      }) : () -> ()
      "tpu.region"() ({
        %run_scoped3A = tpu.sem_alloc : memref<!tpu.dma_semaphore, #tpu.memory_space<semaphore_mem>>
        %dma_start3A = arith.constant 0 : i32
        %dma_start3A_49 = arith.constant 0 : i32
        %dma_start3A_50 = tpu.memref_slice %arg2[%dma_start3A, %dma_start3A_49] : memref<10000x128xf32, #tpu.memory_space<hbm>> -> memref<10000x128xf32, #tpu.memory_space<hbm>>
        tpu.enqueue_indirect_dma source(%dma_start3A_50 : memref<10000x128xf32, #tpu.memory_space<hbm>>) target(%arg8 : memref<80x128xf32, #tpu.memory_space<vmem>>) offsets(%arg6 : memref<80xi32, #tpu.memory_space<vmem>>) semaphore(%run_scoped3A : memref<!tpu.dma_semaphore, #tpu.memory_space<semaphore_mem>>)
        %dma_wait3A = arith.constant 0 : i32
        %dma_wait3A_51 = arith.constant 0 : i32
        %dma_wait3A_52 = tpu.memref_slice %arg2[%dma_wait3A, %dma_wait3A_51] : memref<10000x128xf32, #tpu.memory_space<hbm>> -> memref<10000x128xf32, #tpu.memory_space<hbm>>
        tpu.wait_indirect_dma semaphore(%run_scoped3A : memref<!tpu.dma_semaphore, #tpu.memory_space<semaphore_mem>>) src(%dma_wait3A_52 : memref<10000x128xf32, #tpu.memory_space<hbm>>) dst(%arg8 : memref<80x128xf32, #tpu.memory_space<vmem>>)
        tpu.yield
      }) : () -> ()
      "tpu.region"() ({
        %run_scoped3A = tpu.sem_alloc : memref<!tpu.dma_semaphore, #tpu.memory_space<semaphore_mem>>
        %dma_start3A = arith.constant 0 : i32
        %dma_start3A_49 = arith.constant 0 : i32
        %dma_start3A_50 = tpu.memref_slice %arg9[%dma_start3A, %dma_start3A_49] : memref<10000x128xf32, #tpu.memory_space<vmem_shared>> -> memref<10000x128xf32, #tpu.memory_space<vmem_shared>>
        tpu.enqueue_indirect_dma source(%arg8 : memref<80x128xf32, #tpu.memory_space<vmem>>) target(%dma_start3A_50 : memref<10000x128xf32, #tpu.memory_space<vmem_shared>>) offsets(%arg7 : memref<80xi32, #tpu.memory_space<vmem>>) semaphore(%run_scoped3A : memref<!tpu.dma_semaphore, #tpu.memory_space<semaphore_mem>>) {add = true}
        %dma_wait3A = arith.constant 0 : i32
        %dma_wait3A_51 = arith.constant 0 : i32
        %dma_wait3A_52 = tpu.memref_slice %arg9[%dma_wait3A, %dma_wait3A_51] : memref<10000x128xf32, #tpu.memory_space<vmem_shared>> -> memref<10000x128xf32, #tpu.memory_space<vmem_shared>>
        tpu.wait_indirect_dma semaphore(%run_scoped3A : memref<!tpu.dma_semaphore, #tpu.memory_space<semaphore_mem>>) src(%arg8 : memref<80x128xf32, #tpu.memory_space<vmem>>) dst(%dma_wait3A_52 : memref<10000x128xf32, #tpu.memory_space<vmem_shared>>)
        tpu.yield
      }) : () -> ()
    }
    %scan3A_33 = arith.constant 125 : i32
    %barrier3A_34 = arith.constant 0 : index
    tpu.barrier barrier_id(%barrier3A_34)
    %mul3A_35 = arith.constant 10000 : i32
    %mul3A_36 = arith.muli %arg0, %mul3A_35 : i32
    %add3A_37 = arith.addi %mul3A_36, %multiple_of3A : i32
    %multiple_of3A_38 = tpu.assume_multiple %add3A_37, 8 : i32
    "tpu.region"() ({
      %run_scoped3A = tpu.sem_alloc : memref<!tpu.dma_semaphore, #tpu.memory_space<semaphore_mem>>
      %dma_start3A = arith.constant 0 : i32
      %dma_start3A_44 = tpu.memref_slice %arg5[%multiple_of3A_38, %dma_start3A] : memref<20000x128xf32, #tpu.memory_space<hbm>> -> memref<624x128xf32, #tpu.memory_space<hbm>>
      %dma_start3A_45 = arith.constant 0 : i32
      %dma_start3A_46 = tpu.memref_slice %arg9[%multiple_of3A, %dma_start3A_45] : memref<10000x128xf32, #tpu.memory_space<vmem_shared>> -> memref<624x128xf32, #tpu.memory_space<vmem_shared>>
      tpu.enqueue_dma source(%dma_start3A_46 : memref<624x128xf32, #tpu.memory_space<vmem_shared>>) target(%dma_start3A_44 : memref<624x128xf32, #tpu.memory_space<hbm>>) target_semaphore(%run_scoped3A : memref<!tpu.dma_semaphore, #tpu.memory_space<semaphore_mem>>)
      %dma_wait3A = arith.constant 0 : i32
      %dma_wait3A_47 = tpu.memref_slice %arg5[%multiple_of3A_38, %dma_wait3A] : memref<20000x128xf32, #tpu.memory_space<hbm>> -> memref<624x128xf32, #tpu.memory_space<hbm>>
      %dma_wait3A_48 = arith.constant 0 : i32
      %dma_wait3A_49 = tpu.memref_slice %arg9[%multiple_of3A, %dma_wait3A_48] : memref<10000x128xf32, #tpu.memory_space<vmem_shared>> -> memref<624x128xf32, #tpu.memory_space<vmem_shared>>
      tpu.wait_dma2 semaphore(%run_scoped3A : memref<!tpu.dma_semaphore, #tpu.memory_space<semaphore_mem>>) src(%dma_wait3A_49 : memref<624x128xf32, #tpu.memory_space<vmem_shared>>) dst(%dma_wait3A_47 : memref<624x128xf32, #tpu.memory_space<hbm>>)
      tpu.yield
    }) : () -> ()
    %eq3A_39 = arith.constant 15 : i32
    %eq3A_40 = arith.cmpi eq, %arg1, %eq3A_39 : i32
    %convert_element_type3A_41 = arith.extui %eq3A_40 : i1 to i32
    %cond3A_42 = arith.constant 0 : i32
    %cond3A_43 = arith.cmpi ne, %convert_element_type3A_41, %cond3A_42 : i32
    scf.if %cond3A_43 {
      %mul3A_44 = arith.constant 10000 : i32
      %mul3A_45 = arith.muli %arg0, %mul3A_44 : i32
      %add3A_46 = arith.constant 9984 : i32
      %add3A_47 = arith.addi %mul3A_45, %add3A_46 : i32
      %multiple_of3A_48 = tpu.assume_multiple %add3A_47, 8 : i32
      "tpu.region"() ({
        %run_scoped3A = tpu.sem_alloc : memref<!tpu.dma_semaphore, #tpu.memory_space<semaphore_mem>>
        %dma_start3A = arith.constant 0 : i32
        %dma_start3A_49 = tpu.memref_slice %arg5[%multiple_of3A_48, %dma_start3A] : memref<20000x128xf32, #tpu.memory_space<hbm>> -> memref<16x128xf32, #tpu.memory_space<hbm>>
        %dma_start3A_50 = arith.constant 9984 : i32
        %dma_start3A_51 = arith.constant 0 : i32
        %dma_start3A_52 = tpu.memref_slice %arg9[%dma_start3A_50, %dma_start3A_51] : memref<10000x128xf32, #tpu.memory_space<vmem_shared>> -> memref<16x128xf32, #tpu.memory_space<vmem_shared>>
        tpu.enqueue_dma source(%dma_start3A_52 : memref<16x128xf32, #tpu.memory_space<vmem_shared>>) target(%dma_start3A_49 : memref<16x128xf32, #tpu.memory_space<hbm>>) target_semaphore(%run_scoped3A : memref<!tpu.dma_semaphore, #tpu.memory_space<semaphore_mem>>)
        %dma_wait3A = arith.constant 0 : i32
        %dma_wait3A_53 = tpu.memref_slice %arg5[%multiple_of3A_48, %dma_wait3A] : memref<20000x128xf32, #tpu.memory_space<hbm>> -> memref<16x128xf32, #tpu.memory_space<hbm>>
        %dma_wait3A_54 = arith.constant 9984 : i32
        %dma_wait3A_55 = arith.constant 0 : i32
        %dma_wait3A_56 = tpu.memref_slice %arg9[%dma_wait3A_54, %dma_wait3A_55] : memref<10000x128xf32, #tpu.memory_space<vmem_shared>> -> memref<16x128xf32, #tpu.memory_space<vmem_shared>>
        tpu.wait_dma2 semaphore(%run_scoped3A : memref<!tpu.dma_semaphore, #tpu.memory_space<semaphore_mem>>) src(%dma_wait3A_56 : memref<16x128xf32, #tpu.memory_space<vmem_shared>>) dst(%dma_wait3A_53 : memref<16x128xf32, #tpu.memory_space<hbm>>)
        tpu.yield
      }) : () -> ()
    } else {
    }
    return
  }
}

</mosaic_0001>

<sc_bundles>
// kernel: _sc_aggregate.3.cloned.1.call-start
scs
__scs_entry_jumppad:
0x0: {  	(pc) =	sbr.rel $0x88, $3  }
0x1: {  	(tag) =	ssettag $0x0;
	lr =	simm.s32 $0x1  }
0x2: {  	[smem:$0x3F9E] =	sst lr;
	_ =	strace $0xD0000000  }
0x3: {  	_ = 	snop  }
0x4: {  	_ = 	snop  }
0x5: {  	_ = 	snop  }
0x6: {  	_ = 	snop  }
0x7: {  	_ = 	snop  }
__scs_overlays_trampoline_lowered:
0x8: {  	[smem:$0x3FAD] =	sst s0  }
0x9: {  	[smem:$0x3FAE] =	sst s1  }
0xa: {  	[smem:$0x3FAF] =	sst s2  }
0xb: {  	[smem:$0x3FB0] =	sst s3  }
0xc: {  	[smem:$0x3FB1] =	sst s4  }
0xd: {  	[smem:$0x3FB2] =	sst s5  }
0xe: {  	[smem:$0x3FB3] =	sst s6  }
0xf: {  	[smem:$0x3FB4] =	sst s7  }
0x10: {  	[smem:$0x3FB5] =	sst s8  }
0x11: {  	[smem:$0x3FB6] =	sst s9;
	s0 =	simm.s32 @!p0 $0x0  }
0x12: {  	s1 =	sld [smem:$0x3F9C];
	s0 =	simm.s32 @p0 $0x1  }
0x13: {  	[smem:$0x3FB7] =	sst s0;
	s0 =	simm.s32 @!p1 $0x0  }
0x14: {  	s2 =	sld [smem:$0x3F9B];
	s0 =	simm.s32 @p1 $0x1  }
0x15: {  	[smem:$0x3FB8] =	sst s0;
	s0 =	simm.s32 @!p2 $0x0  }
0x16: {  	s3 =	sld [smem:$0x3FDB];
	s0 =	simm.s32 @p2 $0x1  }
0x17: {  	s4 =	simm.s32 $0x1BF5;
	[smem:$0x3FBA] =	sst s0  }
0x18: {  	s0 =	sld [smem:$0x3F9D];
	_ =	swait.ge [sflag:s4], $0x0  }
0x19: {  	s7 =	sld [smem:$0x3F9E]  }
0x1a: {  	s8 =	sadd.s32 $0xFFFFE003, lr  }
0x1b: {  	s9 =	sadd.s32 $0xFFFFFEF7, lr;
	s5 =	simm.s32 $0xFFFFFFFF;
	p2 =	slt.u32 s8, $0xFFFFF086  }
0x1c: {  	p1 =	slt.u32 s9, $0xF7A;
	s5 =	simm.s32 @!p2 $0x0  }
0x1d: {  	s5 =	simm.s32 @p1 $0x1;
	p0 =	seq.s32 s7, s2  }
0x1e: {  	s7 =	smul.u32 @!p0 $0xF7A, s2;
	p2 =	seq.s32 @!p0 s5, $0x0  }
0x1f: {  	s9 =	smul.u32 $0xF7A, s1;
	s8 =	simm.s32 @!p0 $0x1BF5;
	p2 =	por !p2, p0  }
0x20: {  	[sflag:s8] =	ssyncset.s32 @!p0 $0xFFFFF086;
	s6 =	sadd.s32 @!p0 s3, s7;
	s7 =	simm.s32 @!p0 $0x108  }
0x21: {  	s3 =	sadd.s32 s3, s9;
	s6 =	sadd.s32 @!p0 $0x88, s6;
	s7 =	simm.s32 @p2 $0x1082  }
0x22: {  	[simem:s7], [sflag:s8] =	dma.local @!p0 [hbm:s6], $0xF7A  }
0x23: {  	s9 =	sor.u32 $0xD0000000, s2;
	s6 =	simm.s32 $0x108;
	_ =	swait.ge @!p0 [sflag:s8], $0x0  }
0x24: {  	s3 =	sadd.s32 $0x88, s3;
	s6 =	simm.s32 @!p1 $0x1082;
	[sflag:s4] =	ssyncset.s32 $0xFFFFF086  }
0x25: {  	[simem:s6], [sflag:s4] =	dma.local [hbm:s3], $0xF7A  }
0x26: {  	[smem:$0x3F9E] =	sst s1;
	(tag) =	ssettag s2;
	_ =	strace s9  }
0x27: {  	s1 =	sld [smem:$0x3FAE]  }
0x28: {  	s2 =	sld [smem:$0x3FAF]  }
0x29: {  	s4 =	sld [smem:$0x3FB1]  }
0x2a: {  	p0 =	seq.s32 s5, $0x0;
	s5 =	sld [smem:$0x3FB2]  }
0x2b: {  	s6 =	sld [smem:$0x3FB3]  }
0x2c: {  	s7 =	sld [smem:$0x3FB4]  }
0x2d: {  	s3 =	simm.s32 $0x108;
	s8 =	sld [smem:$0x3FB5]  }
0x2e: {  	s3 =	simm.s32 @!p0 $0x1082;
	s9 =	sld [smem:$0x3FB6]  }
0x2f: {  	lr =	sadd.s32 s0, s3;
	s0 =	sld [smem:$0x3FAD]  }
0x30: {  	s3 =	sld [smem:$0x3FB0]  }
0x31: {  	[smem:$0x3FB9] =	sst s10  }
0x32: {  	s10 =	sld [smem:$0x3FB7];
	_ =	sdelay $0x3  }
0x33: {  	p0 =	seq.s32 s10, $0x1;
	s10 =	sld [smem:$0x3FB9];
	_ =	sdelay $0x3  }
0x34: {  	[smem:$0x3FB9] =	sst s10  }
0x35: {  	s10 =	sld [smem:$0x3FB8];
	_ =	sdelay $0x3  }
0x36: {  	p1 =	seq.s32 s10, $0x1;
	s10 =	sld [smem:$0x3FB9];
	_ =	sdelay $0x3  }
0x37: {  	[smem:$0x3FB9] =	sst s10  }
0x38: {  	s10 =	sld [smem:$0x3FBA]  }
0x39: {  	_ = 	snop;
	(pc) =	sbr.ind lr, $3  }
0x3a: {  	_ = 	snop  }
0x3b: {  	_ = 	snop  }
0x3c: {  	p2 =	seq.s32 s10, $0x1;
	s10 =	sld [smem:$0x3FB9]  }
0x3d: {  	_ =	shalt  }
0x3e: {  	_ =	shalt  }
0x3f: {  	_ =	shalt  }
0x40: {  	_ =	shalt  }
0x41: {  	_ =	shalt  }
0x42: {  	_ =	shalt  }
0x43: {  	_ =	shalt  }
0x44: {  	_ =	shalt  }
0x45: {  	_ =	shalt  }
0x46: {  	_ =	shalt  }
0x47: {  	_ =	shalt  }
0x48: {  	_ =	shalt  }
0x49: {  	_ =	shalt  }
0x4a: {  	_ =	shalt  }
0x4b: {  	_ =	shalt  }
0x4c: {  	_ =	shalt  }
0x4d: {  	_ =	shalt  }
0x4e: {  	_ =	shalt  }
0x4f: {  	_ =	shalt  }
0x50: {  	_ =	shalt  }
0x51: {  	_ =	shalt  }
0x52: {  	_ =	shalt  }
0x53: {  	_ =	shalt  }
0x54: {  	_ =	shalt  }
0x55: {  	_ =	shalt  }
0x56: {  	_ =	shalt  }
0x57: {  	_ =	shalt  }
0x58: {  	_ =	shalt  }
0x59: {  	_ =	shalt  }
0x5a: {  	_ =	shalt  }
0x5b: {  	_ =	shalt  }
0x5c: {  	_ =	shalt  }
0x5d: {  	_ =	shalt  }
0x5e: {  	_ =	shalt  }
0x5f: {  	_ =	shalt  }
0x60: {  	_ =	shalt  }
0x61: {  	_ =	shalt  }
0x62: {  	_ =	shalt  }
0x63: {  	_ =	shalt  }
0x64: {  	_ =	shalt  }
0x65: {  	_ =	shalt  }
0x66: {  	_ =	shalt  }
0x67: {  	_ =	shalt  }
0x68: {  	_ =	shalt  }
0x69: {  	_ =	shalt  }
0x6a: {  	_ =	shalt  }
0x6b: {  	_ =	shalt  }
0x6c: {  	_ =	shalt  }
0x6d: {  	_ =	shalt  }
0x6e: {  	_ =	shalt  }
0x6f: {  	_ =	shalt  }
0x70: {  	_ =	shalt  }
0x71: {  	_ =	shalt  }
0x72: {  	_ =	shalt  }
0x73: {  	_ =	shalt  }
0x74: {  	_ =	shalt  }
0x75: {  	_ =	shalt  }
0x76: {  	_ =	shalt  }
0x77: {  	_ =	shalt  }
0x78: {  	_ =	shalt  }
0x79: {  	_ =	shalt  }
0x7a: {  	_ =	shalt  }
0x7b: {  	_ =	shalt  }
0x7c: {  	_ =	shalt  }
0x7d: {  	_ =	shalt  }
0x7e: {  	_ =	shalt  }
0x7f: {  	_ =	shalt  }
0x80: {  	_ =	shalt  }
0x81: {  	_ =	shalt  }
0x82: {  	_ =	shalt  }
0x83: {  	_ =	shalt  }
0x84: {  	_ =	shalt  }
0x85: {  	_ =	shalt  }
0x86: {  	_ =	shalt  }
0x87: {  	_ =	shalt  }
.Lfunc_end0:
.L_simem_size_0:
called_computation_lowered:
.L_overlay_start_0:
0x88: {  	s2 =	sld [smem:$0x3FD9]  }
0x89: {  	s3 =	sld [smem:$0x3FFE];
	_ =	sdelay $0x1  }
0x8a: {  	s1 =	srdreg.scid  }
0x8b: {  	s0 =	sand.u32 $0x1, s1  }
0x8c: {  	s18 =	sshll.u32 s0, $0xA;
	s2 =	sadd.s32 s3, s2  }
0x8d: {  	s2 =	sadd.s32 s2, s18  }
0x8e: {  	[smem:$0x3FC5] =	sst s2  }
0x8f: {  	_ = 	snop  }
0x90: {  	s2 =	sld [smem:$0x3FC9]  }
0x91: {  	s19 =	sld [smem:$0x3FC8]  }
0x92: {  	s4 =	sld [smem:$0x3FC7]  }
0x93: {  	s5 =	sld [smem:$0x3FD0];
	(tm) =	ssettm $0x1  }
0x94: {  	s6 =	sld [smem:$0x3FFB];
	_ =	sdelay $0x3  }
0x95: {  	_ =	strace s6  }
0x96: {  	s6 =	sld [smem:$0x3FFC];
	_ =	sdelay $0x3  }
0x97: {  	_ =	strace s6  }
0x98: {  	s6 =	sld [smem:$0x3FFD];
	_ =	sdelay $0x3  }
0x99: {  	_ =	strace s6  }
0x9a: {  	_ =	strace $0x8FFFFFFF  }
0x9b: {  	s20 =	sld [smem:$0x3FDB];
	_ =	sdelay $0x1  }
0x9c: {  	s7 =	simm.s32 $_scs_section_size  }
0x9d: {  	s8 =	simm.s32 $_size__tile_overlayer_lowered;
	s9 =	simm.s32 $_tile_overlayer_lowered  }
0x9e: {  	s23 =	simm.s32 $0x1BFF;
	s22 =	sshll.u32 s9, $0x1;
	s6 =	sadd.s32 s7, s20  }
0x9f: {  	s10 =	simm.s32 $0x0;
	s21 =	sshll.u32 s8, $0x1;
	s8 =	sadd.s32 s22, s6  }
0xa0: {  	[timem:s10], [sflag:s23] =	dma.local [hbm:s8], s21  }
0xa1: {  	_ =	swait.ge [sflag:s23], s21  }
0xa2: {  	s7 =	ssub.s32 $0x0, s21;
	[sflag:s23] =	ssyncset.done $0x0  }
0xa3: {  	[sflag:s23] =	ssyncadd.s32 s7;
	_ =	sdelay $0x1  }
0xa4: {  	s24 =	simm.s32 $0x1B8B  }
0xa5: {  	_ =	swait.ge [sflag:s24], $0x1  }
0xa6: {  	[sflag:s24] =	ssyncset.done $0x0  }
0xa7: {  	s25 =	simm.s32 $0x1B8E;
	[sflag:s24] =	ssyncadd.s32 $0xFFFFFFFF  }
0xa8: {  	s26 =	simm.s32 $execute0_lowered;
	[smem:$0x3FD2] =	sst s25  }
0xa9: {  	s7 =	sshll.u32 s26, $0x1;
	_ =	strace $0x80000046;
	[dreg:$0x1] =	wrdreg $0xFFFFFFFF  }
0xaa: {  	s28 =	simm.s32 $_size_execute0_lowered;
	s6 =	sadd.s32 s6, s7;
	[dreg:$0x0] =	wrdreg $0x0  }
0xab: {  	s7 =	sshll.u32 s28, $0x1;
	[dreg:$0x2] =	wrdreg s6  }
0xac: {  	[dreg:$0x3] =	wrdreg s7  }
0xad: {  	[dreg:$0x4] =	wrdreg $0xC0  }
0xae: {  	_ =	task [dreg:s10], $0x5FFFF  }
0xaf: {  	[dreg:$0x1] =	wrdreg $0xFFFFFFFF  }
0xb0: {  	[dreg:$0x0] =	wrdreg $0x60  }
0xb1: {  	[dreg:$0x2] =	wrdreg s2  }
0xb2: {  	[dreg:$0x3] =	wrdreg s19  }
0xb3: {  	[dreg:$0x4] =	wrdreg s4  }
0xb4: {  	[dreg:$0x5] =	wrdreg s5  }
0xb5: {  	[dreg:$0x6] =	wrdreg $0x29000  }
0xb6: {  	[dreg:$0x7] =	wrdreg $0x9  }
0xb7: {  	_ =	task.clear_ibuf [dreg:s10], $0x8FFFF;
	_ =	strace $0x90000046  }
0xb8: {  	s29 =	simm.s32 $0x9;
	_ =	strace $0x80000048  }
0xb9: {  	_ =	swait.ge [sflag:s29], $0x1  }
0xba: {  	[sflag:s29] =	ssyncadd.s32 $0xFFFFFFFF  }
0xbb: {  	_ =	strace $0x90000048  }
0xbc: {  	_ =	sfence  }
0xbd: {  	s30 =	sld [smem:$0x0];
	_ =	sdelay $0x2  }
0xbe: {  	s31 =	sshll.u32 s1, $0xD;
	s1 =	sshrl.u32 s1, $0x2  }
0xbf: {  	s3 =	sand.u32 $0x4000, s31;
	s1 =	sadd.s32 s1, s30  }
0xc0: {  	s0 =	sor.u32 s3, s0;
	s1 =	sshll.u32 s1, $0x11  }
0xc1: {  	s0 =	sor.u32 s1, s0  }
0xc2: {  	s0 =	sadd.s32 $0x8F2B, s0  }
0xc3: {  	[sflag:s0] =	ssyncadd.remote.s32 $0x1  }
0xc4: {  	_ =	sfence.sel $0xFFFF  }
0xc5: {  	[dreg:$0x0] =	wrdreg $0xFFFFFFFF;
	(pc) =	sbr.abs _section_cstart, $3  }
0xc6: {  	[dreg:$0x1] =	wrdreg $0xFFFFFFFF  }
0xc7: {  	_ =	task.clear_ibuf [dreg:s10], $0x2FFFF;
	_ =	strace $0x9FFFFFFF  }
0xc8: {  	(tm) =	ssettm $0x7FFFFFFF  }
0xc9: {  	_ =	shalt  }
tec
execute0_lowered:
.L_overlay_start_1:
0x0: {  	(tag) =	ssettag $0x1  }
0x1: {  	s1 =	rddreg [dreg:$0x0]  }
0x2: {  	s18 =	rddreg [dreg:$0x1]  }
0x3: {  	s17 =	rddreg [dreg:$0x2]  }
0x4: {  	s14 =	rddreg [dreg:$0x3]  }
0x5: {  	s3 =	rddreg [dreg:$0x4];
	s2 =	stileid.u32  }
0x6: {  	s0 =	rddreg [dreg:$0x5];
	s28 =	smul.u32 $0x4E000, s2  }
0x7: {  	s4 =	simm.s32 $0x0;
	s5 =	srdreg.scid;
	s15 =	smul.u32 $0x2700, s2  }
0x8: {  	s23 =	simm.s32 $0x0;
	s12 =	sand.u32 $0x1, s5;
	s21 =	smul.u32 $0x4E20, s2  }
0x9: {  	[smem:$0x7FF] =	sst s4;
	s13 =	sadd.s32 $0x138000, s3;
	s19 =	smul.u32 $0x27100, s12  }
0xa: {  	p0 =	sne.s32 s2, $0xF;
	s6 =	ssub.s32 $0x2, s12;
	s20 =	smul.u32 $0x138800, s12  }
0xb: {  	s22 =	smul.u32 $0x2710, s12;
	s7 =	sshrl.u32 s6, $0x1;
	s5 =	sshrl.u32 s28, $0x2  }
0xc: {  	_ =	strace $0x80000047;
	s16 =	ssub.s32 s6, s7;
	s5 =	sadd.s32 s5, s3  }
0xd: {  	s20 =	sshrl.u32 s20, $0x3;
	s15 =	sadd.s32 s15, s19;
	s30 =	sadd.s32 s22, s21  }
0xe: {  	s19 =	simm.s32 $0x100;
	s21 =	simm.s32 $0x80;
	s22 =	simm.s32 $0x50  }
0xf: {  	s6 =	sadd.s32 $0x2800, s5;
	s7 =	sadd.s32 $0x5000, s5;
	s8 =	sadd.s32 $0x7800, s5  }
0x10: {  	s9 =	sadd.s32 $0xA000, s5;
	s10 =	sadd.s32 $0xC800, s5;
	s11 =	sadd.s32 $0xF000, s5  }
0x11: {  	s12 =	sadd.s32 $0x11800, s5;
	s29 =	sadd.s32 s14, s20;
	s14 =	sadd.s32 s14, s15  }
0x12: {  	s31 =	sshrl.u32 s30, $0x3;
	s16 =	smax.u32 s16, $0x1;
	s20 =	simm.s32 $0x1  }
0x13: {  	v0 =	vimm.f32 $0.0e+00;
	s15 =	sadd.s32 $0x27000, s29;
	s17 =	sadd.s32 s31, s17;
	s18 =	sadd.s32 s31, s18  }
.LBB2_1:
0x14: {  	s24 =	sand.u32 $0xFE00, s4  }
0x15: {  	s25 =	sand.u32 $0x70, s4;
	s26 =	sshrl.u32 s24, $0x2  }
0x16: {  	s24 =	simm.s32 $0x40;
	s26 =	sor.u32 s25, s26;
	s25 =	simm.s32 $0x0  }
.LBB2_2:
0x17: {  	p1 =	sne.s32 s24, $0x9FC0  }
0x18: {  	[tilespmem:s26+$0x100] =	vst v0;
	s25 =	sadd.s32 $0x10, s25;
	s26 =	smov.u32 s24;
	s24 =	sadd.s32 $0x40, s24  }
.Ltmp0:
0x19: {  	(pc) =	sbr.rel @p1 .LBB2_2-.Ltmp0, $4  }
0x1a: {  	_ = 	snop  }
0x1b: {  	s26 =	sand.u32 $0xFE00, s26  }
0x1c: {  	s28 =	sand.u32 $0x70, s25;
	s26 =	sshrl.u32 s26, $0x2  }
0x1d: {  	s26 =	sor.u32 s28, s26  }
0x1e: {  	[tilespmem:s26+$0x100] =	vst v0  }
0x1f: {  	[spmem:s5] =	stream.linear.scatter [tilespmem:s19], [sflag:$0x1], $0x2800, $0x38;
	[tilespmem:$0x16180] =	vst v63  }
0x20: {  	_ =	swait.ge [sflag:s20], $0x2800  }
0x21: {  	[sflag:s20] =	ssyncset.done $0x0  }
0x22: {  	[sflag:s20] =	ssyncadd.s32 $0xFFFFD800  }
0x23: {  	[spmem:s6] =	stream.linear.scatter [tilespmem:s19], [sflag:$0x1], $0x2800, $0x38;
	[tilespmem:$0x16180] =	vst v63  }
0x24: {  	_ =	swait.ge [sflag:s20], $0x2800  }
0x25: {  	[sflag:s20] =	ssyncset.done $0x0  }
0x26: {  	[sflag:s20] =	ssyncadd.s32 $0xFFFFD800  }
0x27: {  	[spmem:s7] =	stream.linear.scatter [tilespmem:s19], [sflag:$0x1], $0x2800, $0x38;
	[tilespmem:$0x16180] =	vst v63  }
0x28: {  	_ =	swait.ge [sflag:s20], $0x2800  }
0x29: {  	[sflag:s20] =	ssyncset.done $0x0  }
0x2a: {  	[sflag:s20] =	ssyncadd.s32 $0xFFFFD800  }
0x2b: {  	[spmem:s8] =	stream.linear.scatter [tilespmem:s19], [sflag:$0x1], $0x2800, $0x38;
	[tilespmem:$0x16180] =	vst v63  }
0x2c: {  	_ =	swait.ge [sflag:s20], $0x2800  }
0x2d: {  	[sflag:s20] =	ssyncset.done $0x0  }
0x2e: {  	[sflag:s20] =	ssyncadd.s32 $0xFFFFD800  }
0x2f: {  	[spmem:s9] =	stream.linear.scatter [tilespmem:s19], [sflag:$0x1], $0x2800, $0x38;
	[tilespmem:$0x16180] =	vst v63  }
0x30: {  	_ =	swait.ge [sflag:s20], $0x2800  }
0x31: {  	[sflag:s20] =	ssyncset.done $0x0  }
0x32: {  	[sflag:s20] =	ssyncadd.s32 $0xFFFFD800  }
0x33: {  	[spmem:s10] =	stream.linear.scatter [tilespmem:s19], [sflag:$0x1], $0x2800, $0x38;
	[tilespmem:$0x16180] =	vst v63  }
0x34: {  	_ =	swait.ge [sflag:s20], $0x2800  }
0x35: {  	[sflag:s20] =	ssyncset.done $0x0  }
0x36: {  	[sflag:s20] =	ssyncadd.s32 $0xFFFFD800  }
0x37: {  	[spmem:s11] =	stream.linear.scatter [tilespmem:s19], [sflag:$0x1], $0x2800, $0x38;
	[tilespmem:$0x16180] =	vst v63  }
0x38: {  	_ =	swait.ge [sflag:s20], $0x2800  }
0x39: {  	[sflag:s20] =	ssyncset.done $0x0  }
0x3a: {  	[sflag:s20] =	ssyncadd.s32 $0xFFFFD800  }
0x3b: {  	[spmem:s12] =	stream.linear.scatter [tilespmem:s19], [sflag:$0x1], $0x2000, $0x38;
	[tilespmem:$0x16180] =	vst v63  }
0x3c: {  	_ =	swait.ge [sflag:s20], $0x2000  }
0x3d: {  	[sflag:s20] =	ssyncset.done $0x0  }
0x3e: {  	s24 =	simm.s32 @!p0 $0x100;
	[sflag:s20] =	ssyncadd.s32 $0xFFFFE000  }
0x3f: {  	[spmem:s13] =	stream.linear.scatter @!p0 [tilespmem:s24], [sflag:$0x1], $0x800, $0x38;
	[tilespmem:$0x16180] =	vst v63  }
0x40: {  	s24 =	simm.s32 @!p0 $0x1  }
0x41: {  	_ =	swait.ge @!p0 [sflag:s24], $0x800  }
0x42: {  	[sflag:s24] =	ssyncset.done @!p0 $0x0  }
0x43: {  	[sflag:s24] =	ssyncadd.s32 @!p0 $0xFFFFF800  }
0x44: {  	s30 =	sadd.s32 $0x0, s18;
	[bflag:$0x0] =	sbarrier.arrive $0xFFFF  }
0x45: {  	[tilespmem:s4], [sflag:$0x1] =	stream.linear.gather [hbm4b:s30+s4], $0x50, $0x38;
	[tilespmem:$0x16180] =	vst v63  }
0x46: {  	_ =	swait.ge [sflag:s20], $0x50  }
0x47: {  	[sflag:s20] =	ssyncset.done $0x0  }
0x48: {  	s31 =	sadd.s32 $0x0, s17;
	[sflag:s20] =	ssyncadd.s32 $0xFFFFFFB0  }
0x49: {  	[tilespmem:s21], [sflag:$0x1] =	stream.linear.gather [hbm4b:s31+s4], $0x50, $0x38;
	[tilespmem:$0x16180] =	vst v63  }
0x4a: {  	_ =	swait.ge [sflag:s20], $0x50  }
0x4b: {  	[sflag:s20] =	ssyncset.done $0x0  }
0x4c: {  	[sflag:s20] =	ssyncadd.s32 $0xFFFFFFB0  }
0x4d: {  	[tilespmem:s19], [sflag:$0x1] =	stream.indirect.gather [hbm4b:s1+s22], $0x80, s4, s22, $0xb8;
	[tilespmem:$0x16180] =	vst v63  }
0x4e: {  	_ =	swait.ge [sflag:s20], $0x2800  }
0x4f: {  	[sflag:s20] =	ssyncset.done $0x0  }
0x50: {  	[sflag:s20] =	ssyncadd.s32 $0xFFFFD800  }
0x51: {  	[spmem:s3] =	stream.indirect.scatter.add.f32 [tilespmem:s19], [sflag:$0x1], $0x80, s21, s22, $0xb8;
	[tilespmem:$0x16180] =	vst v63  }
0x52: {  	_ =	swait.ge [sflag:s20], $0x2800  }
0x53: {  	s25 =	simm.s32 $0x14;
	s24 =	simm.s32 $0xA;
	[sflag:s20] =	ssyncset.done $0x0  }
.LBB2_4:
0x54: {  	s26 =	sadd.s32 s24, s18  }
0x55: {  	[sflag:s20] =	ssyncadd.s32 $0xFFFFD800;
	s28 =	smov.u32 s25;
	s29 =	sadd.s32 $0xA, s25  }
0x56: {  	[tilespmem:s4], [sflag:$0x1] =	stream.linear.gather [hbm4b:s26+s4], $0x50, $0x38;
	[tilespmem:$0x16180] =	vst v63  }
0x57: {  	p1 =	sne.s32 s25, $0x4D8;
	_ =	swait.ge [sflag:s20], $0x50  }
0x58: {  	[sflag:s20] =	ssyncset.done $0x0  }
0x59: {  	s25 =	sadd.s32 s24, s17;
	s24 =	smov.u32 s28;
	[sflag:s20] =	ssyncadd.s32 $0xFFFFFFB0  }
0x5a: {  	[tilespmem:s21], [sflag:$0x1] =	stream.linear.gather [hbm4b:s25+s4], $0x50, $0x38;
	[tilespmem:$0x16180] =	vst v63  }
0x5b: {  	_ =	swait.ge [sflag:s20], $0x50  }
0x5c: {  	[sflag:s20] =	ssyncset.done $0x0  }
0x5d: {  	[sflag:s20] =	ssyncadd.s32 $0xFFFFFFB0  }
0x5e: {  	[tilespmem:s19], [sflag:$0x1] =	stream.indirect.gather [hbm4b:s1+s22], $0x80, s4, s22, $0xb8;
	[tilespmem:$0x16180] =	vst v63  }
0x5f: {  	_ =	swait.ge [sflag:s20], $0x2800  }
.Ltmp1:
0x60: {  	[sflag:s20] =	ssyncset.done $0x0;
	(pc) =	sbr.rel @p1 .LBB2_4-.Ltmp1, $4  }
0x61: {  	[sflag:s20] =	ssyncadd.s32 $0xFFFFD800  }
0x62: {  	[spmem:s3] =	stream.indirect.scatter.add.f32 [tilespmem:s19], [sflag:$0x1], $0x80, s21, s22, $0xb8;
	[tilespmem:$0x16180] =	vst v63  }
0x63: {  	_ =	swait.ge [sflag:s20], $0x2800  }
0x64: {  	s25 =	smov.u32 s29;
	[sflag:s20] =	ssyncset.done $0x0  }
0x65: {  	s25 =	sadd.s32 s24, s18;
	[sflag:s20] =	ssyncadd.s32 $0xFFFFD800  }
0x66: {  	[tilespmem:s4], [sflag:$0x1] =	stream.linear.gather [hbm4b:s25+s4], $0x50, $0x38;
	[tilespmem:$0x16180] =	vst v63  }
0x67: {  	_ =	swait.ge [sflag:s20], $0x50  }
0x68: {  	[sflag:s20] =	ssyncset.done $0x0  }
0x69: {  	s29 =	sadd.s32 s24, s17;
	[sflag:s20] =	ssyncadd.s32 $0xFFFFFFB0  }
0x6a: {  	[tilespmem:s21], [sflag:$0x1] =	stream.linear.gather [hbm4b:s29+s4], $0x50, $0x38;
	[tilespmem:$0x16180] =	vst v63  }
0x6b: {  	_ =	swait.ge [sflag:s20], $0x50  }
0x6c: {  	[sflag:s20] =	ssyncset.done $0x0  }
0x6d: {  	[sflag:s20] =	ssyncadd.s32 $0xFFFFFFB0  }
0x6e: {  	[tilespmem:s19], [sflag:$0x1] =	stream.indirect.gather [hbm4b:s1+s22], $0x80, s4, s22, $0xb8;
	[tilespmem:$0x16180] =	vst v63  }
0x6f: {  	_ =	swait.ge [sflag:s20], $0x2800  }
0x70: {  	[sflag:s20] =	ssyncset.done $0x0  }
0x71: {  	[sflag:s20] =	ssyncadd.s32 $0xFFFFD800  }
0x72: {  	[spmem:s3] =	stream.indirect.scatter.add.f32 [tilespmem:s19], [sflag:$0x1], $0x80, s21, s22, $0xb8;
	[tilespmem:$0x16180] =	vst v63  }
0x73: {  	_ =	swait.ge [sflag:s20], $0x2800  }
0x74: {  	[sflag:s20] =	ssyncset.done $0x0  }
0x75: {  	s30 =	sshll.u32 s2, $0x6;
	[sflag:s20] =	ssyncadd.s32 $0xFFFFD800  }
0x76: {  	s31 =	sshrl.u32 s5, $0x3;
	s24 =	sor.u32 $0x1C01, s30;
	[bflag:$0x0] =	sbarrier.arrive $0xFFFF  }
0x77: {  	[hbm:s14], [sflag:s24] =	dma.local [spmem:s31], $0x2700  }
0x78: {  	_ =	swait.ge [sflag:s20], $0x2700  }
0x79: {  	s23 =	sadd.s32 $0x1, s23;
	[sflag:s20] =	ssyncset.done $0x0  }
0x7a: {  	s25 =	sshrl.u32 @!p0 s13, $0x3;
	p1 =	sne.s32 s23, s16;
	[sflag:s20] =	ssyncadd.s32 $0xFFFFD900  }
0x7b: {  	[hbm:s15], [sflag:s24] =	dma.local @!p0 [spmem:s25], $0x100  }
.Ltmp2:
0x7c: {  	_ = 	snop;
	(pc) =	sbr.rel @p1 .LBB2_1-.Ltmp2, $4  }
0x7d: {  	s24 =	simm.s32 @!p0 $0x1  }
0x7e: {  	_ =	swait.ge @!p0 [sflag:s24], $0x100  }
0x7f: {  	[sflag:s24] =	ssyncset.done @!p0 $0x0  }
0x80: {  	[sflag:s24] =	ssyncadd.s32 @!p0 $0xFFFFFF00  }
0x81: {  	_ =	sfence.sel $0x180000  }
0x82: {  	[bflag:$0x0] =	sbarrier.arrive $0xFFFF  }
0x83: {  	p0 =	sne.s32 s2, $0x0;
	_ =	strace $0x90000047  }
0x84: {  	s0 =	sadd.s32 @!p0 $0x100000, s0;
	[bflag:$0x2] =	sbarrier.arrive $0xFFFF  }
0x85: {  	[sflag:s0] =	ssyncadd.tile.s32 @!p0 $0x1;
	_ =	shalt  }
.Lfunc_end2:
_tile_overlayer_lowered:
.L_overlay_start_2:
0x86: {  	(tag) =	ssettag $0x2  }
0x87: {  	s0 =	rddreg [dreg:$0x0];
	s2 =	stileid.u32  }
0x88: {  	s1 =	rddreg [dreg:$0x1];
	p0 =	sne.s32 s2, $0x0  }
0x89: {  	s3 =	rddreg [dreg:$0x2];
	[bflag:$0x3] =	sbarrier.arrive $0xFFFF;
	s2 =	simm.s32 @!p0 $0x1C01  }
0x8a: {  	[timem:s3], [sflag:s2] =	dma.local @!p0 [hbm:s0], s1  }
0x8b: {  	s0 =	simm.s32 @!p0 $0x1  }
0x8c: {  	_ =	swait.ge @!p0 [sflag:s0], s1  }
0x8d: {  	s1 =	ssub.s32 @!p0 $0x0, s1;
	[sflag:s0] =	ssyncset.done @!p0 $0x0  }
0x8e: {  	[sflag:s0] =	ssyncadd.s32 @!p0 s1  }
0x8f: {  	[bflag:$0x3] =	sbarrier.arrive $0xFFFF  }
0x90: {  	_ =	shalt  }

</sc_bundles>
